<compile_context>
chip_gen: v7x
topology: tpu7x:2x2x1
jax: 0.10.2.dev20260603
libtpu: 0.0.44.dev20260713+nightly
codegen_flags: <defaults>
</compile_context>

<pallas_src>
import functools

import jax
import jax.numpy as jnp
from jax import lax
from jax.experimental import pallas as pl
from jax.experimental.pallas import tpu as pltpu
from jax.experimental.pallas import tpu_sc as plsc

_N, _C, _A = 1024, 1000, 64

_NC, _NS, _L = 2, 16, 16
_NW = _NC * _NS
_BPW = _N // _NW


def _sc_gather_body(tbl_hbm, lab_hbm,
                    wc_hbm,
                    idx_v, rows_v, sem1):
    wid = lax.axis_index("s") * _NC + lax.axis_index("c")
    base = wid * _BPW
    pltpu.sync_copy(lab_hbm.at[pl.ds(base, _BPW)], idx_v)
    pltpu.async_copy(tbl_hbm.at[idx_v], rows_v, sem1).wait()
    pltpu.sync_copy(rows_v, wc_hbm.at[pl.ds(base, _BPW)])


@functools.cache
def _sc_gather():
    return pl.kernel(
        _sc_gather_body,
        mesh=plsc.VectorSubcoreMesh(core_axis_name="c", subcore_axis_name="s"),
        compiler_params=pltpu.CompilerParams(skip_device_barrier=True),
        out_type=jax.ShapeDtypeStruct((_N, 2 * _A), jnp.float32),
        scratch_types=[
            pltpu.VMEM((_BPW,), jnp.int32),
            pltpu.VMEM((_BPW, 2 * _A), jnp.float32),
            pltpu.SemaphoreType.DMA,
        ],
    )


def _tc_loss_body(ratio_ref, fc_ref, ysT_ref, lab_ref, wc_ref,
                  wts_ref, out_ref):
    fc = fc_ref[...]
    ysT = ysT_ref[...]
    wc = wc_ref[...]
    w = wc[:, :_A]
    cvt = wc[:, _A:]
    ratio = ratio_ref[0]

    dn = (((1,), (1,)), ((), ()))
    lhs = jnp.concatenate([fc * fc, fc], axis=1)
    wcvt = w * cvt
    rhs = jnp.concatenate([cvt, -2.0 * wcvt], axis=1)
    t12 = lax.dot_general(lhs, rhs, dn,
                          preferred_element_type=jnp.float32)
    ones_a = jnp.ones((1, _A), jnp.float32)
    const = lax.dot_general(ones_a, w * wcvt, dn,
                            preferred_element_type=jnp.float32)
    augT = ysT + (0.5 * ratio) * (t12 + const)

    m = jnp.max(augT, axis=0, keepdims=True)
    lse = jnp.log(jnp.sum(jnp.exp(augT - m), axis=0, keepdims=True)) + m

    lab = jnp.reshape(lab_ref[...], (1, _N))
    iota = lax.broadcasted_iota(jnp.int32, ysT.shape, 0)
    onehotT = iota == lab
    ysl = jnp.sum(jnp.where(onehotT, ysT, 0.0), axis=0, keepdims=True)
    wrow = jnp.reshape(wts_ref[...], (1, _C))
    dn0 = (((1,), (0,)), ((), ()))
    wl = lax.dot_general(wrow, onehotT.astype(jnp.float32), dn0,
                         preferred_element_type=jnp.float32)

    nll = lse - ysl
    out_ref[0] = jnp.sum(wl * nll) / jnp.sum(wl)


def _tc_loss(ratio, fc, ysT, lab, wc, wts, interpret=False):
    return pl.pallas_call(
        _tc_loss_body,
        out_shape=jax.ShapeDtypeStruct((1,), jnp.float32),
        in_specs=[
            pl.BlockSpec(memory_space=pltpu.SMEM),
            pl.BlockSpec(memory_space=pltpu.VMEM),
            pl.BlockSpec(memory_space=pltpu.VMEM),
            pl.BlockSpec(memory_space=pltpu.VMEM),
            pl.BlockSpec(memory_space=pltpu.VMEM),
            pl.BlockSpec(memory_space=pltpu.VMEM),
        ],
        out_specs=pl.BlockSpec(memory_space=pltpu.SMEM),
        compiler_params=pltpu.CompilerParams(skip_device_barrier=True),
        interpret=interpret,
    )(ratio, fc, ysT, lab, wc, wts)


def kernel(fc, features_source, y_s, labels_source, ratio, weights, cv, mode):
    tbl = jnp.concatenate([fc, cv], axis=1)
    wc = _sc_gather()(tbl, labels_source)
    ratio1 = jnp.reshape(ratio, (1,)).astype(jnp.float32)
    loss = _tc_loss(ratio1, fc, jnp.transpose(y_s), labels_source, wc,
                    weights)
    return loss[0]

# --- scband reference (transcript-rebuilt; emitter-appended) ---
"""Pipeline reference for scband-loss-meta-25778393711118 (READ-ONLY COPY).

The authoritative reference and input builder live on the scoring server;
editing this copy changes nothing except your own understanding.
"""

import jax, jax.numpy as jnp
import numpy as np

N, C, A = 1024, 1000, 64

def setup_inputs(seed: int = 0) -> dict:
    key = jax.random.key(seed)
    k1, k2, k3, k4, k5, k6 = jax.random.split(key, 6)
    return {
        "fc": jax.random.normal(k1, (C, A), dtype=jnp.float32),
        "features_source": jax.random.normal(k2, (N, A), dtype=jnp.float32),
        "y_s": jax.random.normal(k3, (N, C), dtype=jnp.float32),
        "labels_source": jax.random.randint(k4, (N,), 0, C, dtype=jnp.int32),
        "ratio": jnp.ones((), dtype=jnp.float32),
        "weights": jax.random.uniform(k5, (C,), dtype=jnp.float32),
        "cv": jax.random.uniform(k6, (C, A), dtype=jnp.float32),
        "mode": 0,
    }

def reference(fc, features_source, y_s, labels_source, ratio, weights, cv, mode):
    # MetaSAug: sigma2[n, c] = ratio * sum_a (fc[c,a] - fc[label_n,a])^2 * cv[label_n,a]
    W_kj = jnp.take(fc, labels_source, axis=0)          # [N, A] gather
    CV_temp = jnp.take(cv, labels_source, axis=0)       # [N, A] gather
    diff = fc[None, :, :] - W_kj[:, None, :]            # [N, C, A]
    sigma2 = ratio * jnp.sum(diff * diff * CV_temp[:, None, :], axis=2)  # [N, C]
    aug_y = y_s + 0.5 * sigma2
    # weighted cross entropy with mean reduction (F.cross_entropy semantics):
    # loss = sum_n w[y_n] * nll_n / sum_n w[y_n]
    logp = jax.nn.log_softmax(aug_y, axis=-1)
    nll = -jnp.take_along_axis(logp, labels_source[:, None], axis=1).squeeze(1)
    w = jnp.take(weights, labels_source, axis=0)
    loss = jnp.sum(w * nll) / jnp.sum(w)
    return loss

if __name__ == "__main__":
    import jax
    _d = setup_inputs()
    print(jax.jit(kernel)(*tuple(_d.values())))

</pallas_src>

<mosaic_0001>
#map = affine_map<(d0, d1) -> (0, 0)>
#map1 = affine_map<(d0, d1) -> (0)>
module attributes {stable_mosaic.version = 14 : i64} {
  func.func @_sc_gather_body(%arg0: i32, %arg1: i32, %arg2: memref<1000x128xf32, #tpu.memory_space<hbm>>, %arg3: memref<1024xi32, #tpu.memory_space<hbm>>, %arg4: memref<1024x128xf32, #tpu.memory_space<hbm>>, %arg5: memref<32xi32, #tpu.memory_space<vmem>>, %arg6: memref<32x128xf32, #tpu.memory_space<vmem>>, %arg7: memref<!tpu.dma_semaphore, #tpu.memory_space<semaphore_mem>>) attributes {dimension_semantics = [#tpu.dimension_semantics<core_parallel>, #tpu.dimension_semantics<subcore_parallel>], iteration_bounds = array<i64: 2, 16>, scalar_prefetch = 0 : i64, scratch_operands = 3 : i64, tpu.core_type = #tpu.core_type<sc_vector_subcore>, window_params = [{transform_indices = #map}, {transform_indices = #map1}, {transform_indices = #map}]} {
    %mul3A = arith.constant 2 : i32
    %mul3A_0 = arith.muli %arg1, %mul3A : i32
    %add3A = arith.addi %mul3A_0, %arg0 : i32
    %mul3A_1 = arith.constant 32 : i32
    %mul3A_2 = arith.muli %add3A, %mul3A_1 : i32
    "tpu.region"() ({
      %run_scoped3A = tpu.sem_alloc : memref<!tpu.dma_semaphore, #tpu.memory_space<semaphore_mem>>
      %dma_start3A_7 = tpu.memref_slice %arg3[%mul3A_2] : memref<1024xi32, #tpu.memory_space<hbm>> -> memref<32xi32, #tpu.memory_space<hbm>>
      %dma_start3A_8 = tpu.memref_slice %arg3[%mul3A_2] : memref<1024xi32, #tpu.memory_space<hbm>> -> memref<32xi32, #tpu.memory_space<hbm>>
      tpu.enqueue_dma source(%dma_start3A_8 : memref<32xi32, #tpu.memory_space<hbm>>) target(%arg5 : memref<32xi32, #tpu.memory_space<vmem>>) target_semaphore(%run_scoped3A : memref<!tpu.dma_semaphore, #tpu.memory_space<semaphore_mem>>)
      %dma_wait3A_9 = tpu.memref_slice %arg3[%mul3A_2] : memref<1024xi32, #tpu.memory_space<hbm>> -> memref<32xi32, #tpu.memory_space<hbm>>
      %dma_wait3A_10 = tpu.memref_slice %arg3[%mul3A_2] : memref<1024xi32, #tpu.memory_space<hbm>> -> memref<32xi32, #tpu.memory_space<hbm>>
      tpu.wait_dma2 semaphore(%run_scoped3A : memref<!tpu.dma_semaphore, #tpu.memory_space<semaphore_mem>>) src(%dma_wait3A_10 : memref<32xi32, #tpu.memory_space<hbm>>) dst(%arg5 : memref<32xi32, #tpu.memory_space<vmem>>)
      tpu.yield
    }) : () -> ()
    %dma_start3A = arith.constant 0 : i32
    %dma_start3A_3 = arith.constant 0 : i32
    %dma_start3A_4 = tpu.memref_slice %arg2[%dma_start3A, %dma_start3A_3] : memref<1000x128xf32, #tpu.memory_space<hbm>> -> memref<1000x128xf32, #tpu.memory_space<hbm>>
    tpu.enqueue_indirect_dma source(%dma_start3A_4 : memref<1000x128xf32, #tpu.memory_space<hbm>>) target(%arg6 : memref<32x128xf32, #tpu.memory_space<vmem>>) offsets(%arg5 : memref<32xi32, #tpu.memory_space<vmem>>) semaphore(%arg7 : memref<!tpu.dma_semaphore, #tpu.memory_space<semaphore_mem>>)
    %dma_wait3A = arith.constant 0 : i32
    %dma_wait3A_5 = arith.constant 0 : i32
    %dma_wait3A_6 = tpu.memref_slice %arg2[%dma_wait3A, %dma_wait3A_5] : memref<1000x128xf32, #tpu.memory_space<hbm>> -> memref<1000x128xf32, #tpu.memory_space<hbm>>
    tpu.wait_indirect_dma semaphore(%arg7 : memref<!tpu.dma_semaphore, #tpu.memory_space<semaphore_mem>>) src(%dma_wait3A_6 : memref<1000x128xf32, #tpu.memory_space<hbm>>) dst(%arg6 : memref<32x128xf32, #tpu.memory_space<vmem>>)
    "tpu.region"() ({
      %run_scoped3A = tpu.sem_alloc : memref<!tpu.dma_semaphore, #tpu.memory_space<semaphore_mem>>
      %dma_start3A_7 = arith.constant 0 : i32
      %dma_start3A_8 = tpu.memref_slice %arg4[%mul3A_2, %dma_start3A_7] : memref<1024x128xf32, #tpu.memory_space<hbm>> -> memref<32x128xf32, #tpu.memory_space<hbm>>
      %dma_start3A_9 = arith.constant 0 : i32
      %dma_start3A_10 = tpu.memref_slice %arg4[%mul3A_2, %dma_start3A_9] : memref<1024x128xf32, #tpu.memory_space<hbm>> -> memref<32x128xf32, #tpu.memory_space<hbm>>
      tpu.enqueue_dma source(%arg6 : memref<32x128xf32, #tpu.memory_space<vmem>>) target(%dma_start3A_10 : memref<32x128xf32, #tpu.memory_space<hbm>>) target_semaphore(%run_scoped3A : memref<!tpu.dma_semaphore, #tpu.memory_space<semaphore_mem>>)
      %dma_wait3A_11 = arith.constant 0 : i32
      %dma_wait3A_12 = tpu.memref_slice %arg4[%mul3A_2, %dma_wait3A_11] : memref<1024x128xf32, #tpu.memory_space<hbm>> -> memref<32x128xf32, #tpu.memory_space<hbm>>
      %dma_wait3A_13 = arith.constant 0 : i32
      %dma_wait3A_14 = tpu.memref_slice %arg4[%mul3A_2, %dma_wait3A_13] : memref<1024x128xf32, #tpu.memory_space<hbm>> -> memref<32x128xf32, #tpu.memory_space<hbm>>
      tpu.wait_dma2 semaphore(%run_scoped3A : memref<!tpu.dma_semaphore, #tpu.memory_space<semaphore_mem>>) src(%arg6 : memref<32x128xf32, #tpu.memory_space<vmem>>) dst(%dma_wait3A_14 : memref<32x128xf32, #tpu.memory_space<hbm>>)
      tpu.yield
    }) : () -> ()
    return
  }
}

module attributes {stable_mosaic.version = 14 : i64} {
  func.func @_tc_loss_body(%arg0: memref<1xf32, #tpu.memory_space<smem>>, %arg1: memref<1000x64xf32, #tpu.memory_space<vmem>>, %arg2: memref<1000x1024xf32, #tpu.memory_space<vmem>>, %arg3: memref<1024xi32, #tpu.memory_space<vmem>>, %arg4: memref<1024x128xf32, #tpu.memory_space<vmem>>, %arg5: memref<1000xf32, #tpu.memory_space<vmem>>, %arg6: memref<1xf32, #tpu.memory_space<smem>>) attributes {dimension_semantics = [], scalar_prefetch = 0 : i64, scratch_operands = 0 : i64, tpu.core_type = #tpu.core_type<tc>} {
    %get3A = arith.constant 0 : index
    %get3A_0 = arith.constant 0 : index
    %get3A_1 = vector.load %arg1[%get3A, %get3A_0] : memref<1000x64xf32, #tpu.memory_space<vmem>>, vector<1000x64xf32>
    %get3A_2 = arith.constant 0 : index
    %get3A_3 = arith.constant 0 : index
    %get3A_4 = vector.load %arg2[%get3A_2, %get3A_3] : memref<1000x1024xf32, #tpu.memory_space<vmem>>, vector<1000x1024xf32>
    %get3A_5 = arith.constant 0 : index
    %get3A_6 = arith.constant 0 : index
    %get3A_7 = vector.load %arg4[%get3A_5, %get3A_6] : memref<1024x128xf32, #tpu.memory_space<vmem>>, vector<1024x128xf32>
    %slice3A = vector.extract_strided_slice %get3A_7 {offsets = [0, 0], sizes = [1024, 64], strides = [1, 1]} : vector<1024x128xf32> to vector<1024x64xf32>
    %slice3A_8 = vector.extract_strided_slice %get3A_7 {offsets = [0, 64], sizes = [1024, 64], strides = [1, 1]} : vector<1024x128xf32> to vector<1024x64xf32>
    %get3A_9 = arith.constant 0 : index
    %get3A_10 = memref.load %arg0[%get3A_9] : memref<1xf32, #tpu.memory_space<smem>>
    %mul3A = arith.mulf %get3A_1, %get3A_1 : vector<1000x64xf32>
    %concatenate3A = tpu.concatenate %mul3A, %get3A_1 in 1 : vector<1000x64xf32>, vector<1000x64xf32> -> vector<1000x128xf32>
    %mul3A_11 = arith.mulf %slice3A, %slice3A_8 : vector<1024x64xf32>
    %mul3A_12 = arith.constant -2.000000e+00 : f32
    %mul3A_13 = vector.broadcast %mul3A_12 : f32 to vector<1024x64xf32>
    %mul3A_14 = arith.mulf %mul3A_13, %mul3A_11 : vector<1024x64xf32>
    %concatenate3A_15 = tpu.concatenate %slice3A_8, %mul3A_14 in 1 : vector<1024x64xf32>, vector<1024x64xf32> -> vector<1024x128xf32>
    %dot_general3A = arith.constant dense<0.000000e+00> : vector<1000x1024xf32>
    %dot_general3A_16 = tpu.matmul %concatenate3A, %concatenate3A_15, %dot_general3A {dimension_numbers = #tpu.dot_dimension_numbers<[1], [1], [0], [0], [0, 0, 1, 0], [], []>, transpose_lhs_hint = false} : vector<1000x128xf32>, vector<1024x128xf32>, vector<1000x1024xf32> -> vector<1000x1024xf32>
    %broadcast_in_dim3A = arith.constant 1.000000e+00 : f32
    %broadcast_in_dim3A_17 = vector.broadcast %broadcast_in_dim3A : f32 to vector<1x64xf32>
    %mul3A_18 = arith.mulf %slice3A, %mul3A_11 : vector<1024x64xf32>
    %dot_general3A_19 = arith.constant dense<0.000000e+00> : vector<1x1024xf32>
    %dot_general3A_20 = tpu.matmul %broadcast_in_dim3A_17, %mul3A_18, %dot_general3A_19 {dimension_numbers = #tpu.dot_dimension_numbers<[1], [1], [0], [0], [0, 0, 1, 0], [], []>, transpose_lhs_hint = false} : vector<1x64xf32>, vector<1024x64xf32>, vector<1x1024xf32> -> vector<1x1024xf32>
    %mul3A_21 = arith.constant 5.000000e-01 : f32
    %mul3A_22 = arith.mulf %mul3A_21, %get3A_10 : f32
    %add3A = vector.broadcast %dot_general3A_20 : vector<1x1024xf32> to vector<1000x1024xf32>
    %add3A_23 = arith.addf %dot_general3A_16, %add3A : vector<1000x1024xf32>
    %mul3A_24 = vector.broadcast %mul3A_22 : f32 to vector<1000x1024xf32>
    %mul3A_25 = arith.mulf %mul3A_24, %add3A_23 : vector<1000x1024xf32>
    %add3A_26 = arith.addf %get3A_4, %mul3A_25 : vector<1000x1024xf32>
    %reduce_max3A = arith.constant dense<0xFF800000> : vector<1024xf32>
    %reduce_max3A_27 = vector.multi_reduction <maximumf>, %add3A_26, %reduce_max3A [0] : vector<1000x1024xf32> to vector<1024xf32>
    %broadcast_in_dim3A_28 = vector.shape_cast %reduce_max3A_27 : vector<1024xf32> to vector<1x1024xf32>
    %sub3A = vector.broadcast %broadcast_in_dim3A_28 : vector<1x1024xf32> to vector<1000x1024xf32>
    %sub3A_29 = arith.subf %add3A_26, %sub3A : vector<1000x1024xf32>
    %exp3A = math.exp %sub3A_29 : vector<1000x1024xf32>
    %reduce_sum3A = arith.constant dense<0.000000e+00> : vector<1024xf32>
    %reduce_sum3A_30 = vector.multi_reduction <add>, %exp3A, %reduce_sum3A [0] : vector<1000x1024xf32> to vector<1024xf32>
    %broadcast_in_dim3A_31 = vector.shape_cast %reduce_sum3A_30 : vector<1024xf32> to vector<1x1024xf32>
    %log3A = math.log %broadcast_in_dim3A_31 : vector<1x1024xf32>
    %add3A_32 = arith.addf %log3A, %broadcast_in_dim3A_28 : vector<1x1024xf32>
    %get3A_33 = arith.constant 0 : index
    %get3A_34 = vector.load %arg3[%get3A_33] : memref<1024xi32, #tpu.memory_space<vmem>>, vector<1024xi32>
    %reshape3A = vector.shape_cast %get3A_34 : vector<1024xi32> to vector<1x1024xi32>
    %iota3A = tpu.iota {dimensions = array<i32: 0>} : vector<1000x1024xi32>
    %eq3A = vector.broadcast %reshape3A : vector<1x1024xi32> to vector<1000x1024xi32>
    %eq3A_35 = arith.cmpi eq, %iota3A, %eq3A : vector<1000x1024xi32>
    %jit3A = arith.constant 0.000000e+00 : f32
    %broadcast_in_dim3A_36 = vector.broadcast %jit3A : f32 to vector<1000x1024xf32>
    %select_n3A = arith.select %eq3A_35, %get3A_4, %broadcast_in_dim3A_36 : vector<1000x1024xi1>, vector<1000x1024xf32>
    %reduce_sum3A_37 = arith.constant dense<0.000000e+00> : vector<1024xf32>
    %reduce_sum3A_38 = vector.multi_reduction <add>, %select_n3A, %reduce_sum3A_37 [0] : vector<1000x1024xf32> to vector<1024xf32>
    %broadcast_in_dim3A_39 = vector.shape_cast %reduce_sum3A_38 : vector<1024xf32> to vector<1x1024xf32>
    %get3A_40 = arith.constant 0 : index
    %get3A_41 = vector.load %arg5[%get3A_40] : memref<1000xf32, #tpu.memory_space<vmem>>, vector<1000xf32>
    %reshape3A_42 = vector.shape_cast %get3A_41 : vector<1000xf32> to vector<1x1000xf32>
    %convert_element_type3A = arith.extui %eq3A_35 : vector<1000x1024xi1> to vector<1000x1024xi32>
    %convert_element_type3A_43 = arith.sitofp %convert_element_type3A : vector<1000x1024xi32> to vector<1000x1024xf32>
    %dot_general3A_44 = arith.constant dense<0.000000e+00> : vector<1x1024xf32>
    %dot_general3A_45 = tpu.matmul %reshape3A_42, %convert_element_type3A_43, %dot_general3A_44 {dimension_numbers = #tpu.dot_dimension_numbers<[1], [0], [0], [1], [0, 0, 1, 1], [], []>, transpose_lhs_hint = false} : vector<1x1000xf32>, vector<1000x1024xf32>, vector<1x1024xf32> -> vector<1x1024xf32>
    %sub3A_46 = arith.subf %add3A_32, %broadcast_in_dim3A_39 : vector<1x1024xf32>
    %mul3A_47 = arith.mulf %dot_general3A_45, %sub3A_46 : vector<1x1024xf32>
    %reduce_sum3A_48 = vector.shape_cast %mul3A_47 : vector<1x1024xf32> to vector<1x1x1024xf32>
    %reduce_sum3A_49 = arith.constant dense<0.000000e+00> : vector<1xf32>
    %reduce_sum3A_50 = vector.multi_reduction <add>, %reduce_sum3A_48, %reduce_sum3A_49 [1, 2] : vector<1x1x1024xf32> to vector<1xf32>
    %reduce_sum3A_51 = vector.shape_cast %reduce_sum3A_50 : vector<1xf32> to vector<1x1x1xf32>
    %reduce_sum3A_52 = vector.extract %reduce_sum3A_51[0, 0, 0] : f32 from vector<1x1x1xf32>
    %reduce_sum3A_53 = vector.shape_cast %dot_general3A_45 : vector<1x1024xf32> to vector<1x1x1024xf32>
    %reduce_sum3A_54 = arith.constant dense<0.000000e+00> : vector<1xf32>
    %reduce_sum3A_55 = vector.multi_reduction <add>, %reduce_sum3A_53, %reduce_sum3A_54 [1, 2] : vector<1x1x1024xf32> to vector<1xf32>
    %reduce_sum3A_56 = vector.shape_cast %reduce_sum3A_55 : vector<1xf32> to vector<1x1x1xf32>
    %reduce_sum3A_57 = vector.extract %reduce_sum3A_56[0, 0, 0] : f32 from vector<1x1x1xf32>
    %div3A = arith.divf %reduce_sum3A_52, %reduce_sum3A_57 : f32
    %swap3A = arith.constant 0 : index
    %swap3A_58 = memref.load %arg6[%swap3A] : memref<1xf32, #tpu.memory_space<smem>>
    memref.store %div3A, %arg6[%swap3A] : memref<1xf32, #tpu.memory_space<smem>>
    return
  }
}

</mosaic_0001>

<sc_bundles>
// kernel: kernel.4.cloned.1.call-start
scs
__scs_entry_jumppad:
0x0: {  	(pc) =	sbr.rel $0x88, $3  }
0x1: {  	(tag) =	ssettag $0x0;
	lr =	simm.s32 $0x1  }
0x2: {  	[smem:$0x3F9B] =	sst lr;
	_ =	strace $0xD0000000  }
0x3: {  	_ = 	snop  }
0x4: {  	_ = 	snop  }
0x5: {  	_ = 	snop  }
0x6: {  	_ = 	snop  }
0x7: {  	_ = 	snop  }
__scs_overlays_trampoline_lowered:
0x8: {  	[smem:$0x3FAA] =	sst s0  }
0x9: {  	[smem:$0x3FAB] =	sst s1  }
0xa: {  	[smem:$0x3FAC] =	sst s2  }
0xb: {  	[smem:$0x3FAD] =	sst s3  }
0xc: {  	[smem:$0x3FAE] =	sst s4  }
0xd: {  	[smem:$0x3FAF] =	sst s5  }
0xe: {  	[smem:$0x3FB0] =	sst s6  }
0xf: {  	[smem:$0x3FB1] =	sst s7  }
0x10: {  	[smem:$0x3FB2] =	sst s8  }
0x11: {  	[smem:$0x3FB3] =	sst s9;
	s0 =	simm.s32 @!p0 $0x0  }
0x12: {  	s1 =	sld [smem:$0x3F99];
	s0 =	simm.s32 @p0 $0x1  }
0x13: {  	[smem:$0x3FB4] =	sst s0;
	s0 =	simm.s32 @!p1 $0x0  }
0x14: {  	s2 =	sld [smem:$0x3F98];
	s0 =	simm.s32 @p1 $0x1  }
0x15: {  	[smem:$0x3FB5] =	sst s0;
	s0 =	simm.s32 @!p2 $0x0  }
0x16: {  	s3 =	sld [smem:$0x3FDB];
	s0 =	simm.s32 @p2 $0x1  }
0x17: {  	s4 =	simm.s32 $0x1BF5;
	[smem:$0x3FB7] =	sst s0  }
0x18: {  	s0 =	sld [smem:$0x3F9A];
	_ =	swait.ge [sflag:s4], $0x0  }
0x19: {  	s7 =	sld [smem:$0x3F9B]  }
0x1a: {  	s8 =	sadd.s32 $0xFFFFE003, lr  }
0x1b: {  	s9 =	sadd.s32 $0xFFFFFEF7, lr;
	s5 =	simm.s32 $0xFFFFFFFF;
	p2 =	slt.u32 s8, $0xFFFFF086  }
0x1c: {  	p1 =	slt.u32 s9, $0xF7A;
	s5 =	simm.s32 @!p2 $0x0  }
0x1d: {  	s5 =	simm.s32 @p1 $0x1;
	p0 =	seq.s32 s7, s2  }
0x1e: {  	s7 =	smul.u32 @!p0 $0xF7A, s2;
	p2 =	seq.s32 @!p0 s5, $0x0  }
0x1f: {  	s9 =	smul.u32 $0xF7A, s1;
	s8 =	simm.s32 @!p0 $0x1BF5;
	p2 =	por !p2, p0  }
0x20: {  	[sflag:s8] =	ssyncset.s32 @!p0 $0xFFFFF086;
	s6 =	sadd.s32 @!p0 s3, s7;
	s7 =	simm.s32 @!p0 $0x108  }
0x21: {  	s3 =	sadd.s32 s3, s9;
	s6 =	sadd.s32 @!p0 $0x88, s6;
	s7 =	simm.s32 @p2 $0x1082  }
0x22: {  	[simem:s7], [sflag:s8] =	dma.local @!p0 [hbm:s6], $0xF7A  }
0x23: {  	s9 =	sor.u32 $0xD0000000, s2;
	s6 =	simm.s32 $0x108;
	_ =	swait.ge @!p0 [sflag:s8], $0x0  }
0x24: {  	s3 =	sadd.s32 $0x88, s3;
	s6 =	simm.s32 @!p1 $0x1082;
	[sflag:s4] =	ssyncset.s32 $0xFFFFF086  }
0x25: {  	[simem:s6], [sflag:s4] =	dma.local [hbm:s3], $0xF7A  }
0x26: {  	[smem:$0x3F9B] =	sst s1;
	(tag) =	ssettag s2;
	_ =	strace s9  }
0x27: {  	s1 =	sld [smem:$0x3FAB]  }
0x28: {  	s2 =	sld [smem:$0x3FAC]  }
0x29: {  	s4 =	sld [smem:$0x3FAE]  }
0x2a: {  	p0 =	seq.s32 s5, $0x0;
	s5 =	sld [smem:$0x3FAF]  }
0x2b: {  	s6 =	sld [smem:$0x3FB0]  }
0x2c: {  	s7 =	sld [smem:$0x3FB1]  }
0x2d: {  	s3 =	simm.s32 $0x108;
	s8 =	sld [smem:$0x3FB2]  }
0x2e: {  	s3 =	simm.s32 @!p0 $0x1082;
	s9 =	sld [smem:$0x3FB3]  }
0x2f: {  	lr =	sadd.s32 s0, s3;
	s0 =	sld [smem:$0x3FAA]  }
0x30: {  	s3 =	sld [smem:$0x3FAD]  }
0x31: {  	[smem:$0x3FB6] =	sst s10  }
0x32: {  	s10 =	sld [smem:$0x3FB4];
	_ =	sdelay $0x3  }
0x33: {  	p0 =	seq.s32 s10, $0x1;
	s10 =	sld [smem:$0x3FB6];
	_ =	sdelay $0x3  }
0x34: {  	[smem:$0x3FB6] =	sst s10  }
0x35: {  	s10 =	sld [smem:$0x3FB5];
	_ =	sdelay $0x3  }
0x36: {  	p1 =	seq.s32 s10, $0x1;
	s10 =	sld [smem:$0x3FB6];
	_ =	sdelay $0x3  }
0x37: {  	[smem:$0x3FB6] =	sst s10  }
0x38: {  	s10 =	sld [smem:$0x3FB7]  }
0x39: {  	_ = 	snop;
	(pc) =	sbr.ind lr, $3  }
0x3a: {  	_ = 	snop  }
0x3b: {  	_ = 	snop  }
0x3c: {  	p2 =	seq.s32 s10, $0x1;
	s10 =	sld [smem:$0x3FB6]  }
0x3d: {  	_ =	shalt  }
0x3e: {  	_ =	shalt  }
0x3f: {  	_ =	shalt  }
0x40: {  	_ =	shalt  }
0x41: {  	_ =	shalt  }
0x42: {  	_ =	shalt  }
0x43: {  	_ =	shalt  }
0x44: {  	_ =	shalt  }
0x45: {  	_ =	shalt  }
0x46: {  	_ =	shalt  }
0x47: {  	_ =	shalt  }
0x48: {  	_ =	shalt  }
0x49: {  	_ =	shalt  }
0x4a: {  	_ =	shalt  }
0x4b: {  	_ =	shalt  }
0x4c: {  	_ =	shalt  }
0x4d: {  	_ =	shalt  }
0x4e: {  	_ =	shalt  }
0x4f: {  	_ =	shalt  }
0x50: {  	_ =	shalt  }
0x51: {  	_ =	shalt  }
0x52: {  	_ =	shalt  }
0x53: {  	_ =	shalt  }
0x54: {  	_ =	shalt  }
0x55: {  	_ =	shalt  }
0x56: {  	_ =	shalt  }
0x57: {  	_ =	shalt  }
0x58: {  	_ =	shalt  }
0x59: {  	_ =	shalt  }
0x5a: {  	_ =	shalt  }
0x5b: {  	_ =	shalt  }
0x5c: {  	_ =	shalt  }
0x5d: {  	_ =	shalt  }
0x5e: {  	_ =	shalt  }
0x5f: {  	_ =	shalt  }
0x60: {  	_ =	shalt  }
0x61: {  	_ =	shalt  }
0x62: {  	_ =	shalt  }
0x63: {  	_ =	shalt  }
0x64: {  	_ =	shalt  }
0x65: {  	_ =	shalt  }
0x66: {  	_ =	shalt  }
0x67: {  	_ =	shalt  }
0x68: {  	_ =	shalt  }
0x69: {  	_ =	shalt  }
0x6a: {  	_ =	shalt  }
0x6b: {  	_ =	shalt  }
0x6c: {  	_ =	shalt  }
0x6d: {  	_ =	shalt  }
0x6e: {  	_ =	shalt  }
0x6f: {  	_ =	shalt  }
0x70: {  	_ =	shalt  }
0x71: {  	_ =	shalt  }
0x72: {  	_ =	shalt  }
0x73: {  	_ =	shalt  }
0x74: {  	_ =	shalt  }
0x75: {  	_ =	shalt  }
0x76: {  	_ =	shalt  }
0x77: {  	_ =	shalt  }
0x78: {  	_ =	shalt  }
0x79: {  	_ =	shalt  }
0x7a: {  	_ =	shalt  }
0x7b: {  	_ =	shalt  }
0x7c: {  	_ =	shalt  }
0x7d: {  	_ =	shalt  }
0x7e: {  	_ =	shalt  }
0x7f: {  	_ =	shalt  }
0x80: {  	_ =	shalt  }
0x81: {  	_ =	shalt  }
0x82: {  	_ =	shalt  }
0x83: {  	_ =	shalt  }
0x84: {  	_ =	shalt  }
0x85: {  	_ =	shalt  }
0x86: {  	_ =	shalt  }
0x87: {  	_ =	shalt  }
.Lfunc_end0:
.L_simem_size_0:
called_computation_lowered:
.L_overlay_start_0:
0x88: {  	s2 =	sld [smem:$0x3FD9]  }
0x89: {  	s3 =	sld [smem:$0x3FFE];
	_ =	sdelay $0x1  }
0x8a: {  	s1 =	srdreg.scid  }
0x8b: {  	s0 =	sand.u32 $0x1, s1  }
0x8c: {  	s17 =	sshll.u32 s0, $0xA;
	s2 =	sadd.s32 s3, s2  }
0x8d: {  	s2 =	sadd.s32 s2, s17  }
0x8e: {  	[smem:$0x3FC2] =	sst s2  }
0x8f: {  	_ = 	snop  }
0x90: {  	s2 =	sld [smem:$0x3FC7];
	(tm) =	ssettm $0x1  }
0x91: {  	s18 =	sld [smem:$0x3FFB];
	_ =	sdelay $0x3  }
0x92: {  	_ =	strace s18  }
0x93: {  	s3 =	sld [smem:$0x3FFC];
	_ =	sdelay $0x3  }
0x94: {  	_ =	strace s3  }
0x95: {  	s3 =	sld [smem:$0x3FFD];
	_ =	sdelay $0x3  }
0x96: {  	_ =	strace s3  }
0x97: {  	_ =	strace $0x8FFFFFFF  }
0x98: {  	s19 =	sld [smem:$0x3FDB];
	_ =	sdelay $0x1  }
0x99: {  	s4 =	simm.s32 $_scs_section_size  }
0x9a: {  	s5 =	simm.s32 $_size__tile_overlayer_lowered;
	s6 =	simm.s32 $_tile_overlayer_lowered  }
0x9b: {  	s22 =	simm.s32 $0x1BFF;
	s21 =	sshll.u32 s6, $0x1;
	s3 =	sadd.s32 s4, s19  }
0x9c: {  	s7 =	simm.s32 $0x0;
	s20 =	sshll.u32 s5, $0x1;
	s5 =	sadd.s32 s21, s3  }
0x9d: {  	[timem:s7], [sflag:s22] =	dma.local [hbm:s5], s20  }
0x9e: {  	_ =	swait.ge [sflag:s22], s20  }
0x9f: {  	s4 =	ssub.s32 $0x0, s20;
	[sflag:s22] =	ssyncset.done $0x0  }
0xa0: {  	[sflag:s22] =	ssyncadd.s32 s4;
	_ =	sdelay $0x1  }
0xa1: {  	s23 =	simm.s32 $0x1B8B  }
0xa2: {  	_ =	swait.ge [sflag:s23], $0x1  }
0xa3: {  	[sflag:s23] =	ssyncset.done $0x0  }
0xa4: {  	s25 =	simm.s32 $0x1B8E;
	s24 =	sld [smem:$0x3FFE];
	[sflag:s23] =	ssyncadd.s32 $0xFFFFFFFF  }
0xa5: {  	s26 =	simm.s32 $execute0_lowered;
	[smem:$0x3FD2] =	sst s25  }
0xa6: {  	s5 =	sshll.u32 s26, $0x1;
	_ =	strace $0x80000046;
	[dreg:$0x1] =	wrdreg $0xFFFFFFFF  }
0xa7: {  	s28 =	simm.s32 $_size_execute0_lowered;
	s3 =	sadd.s32 s3, s5;
	[dreg:$0x0] =	wrdreg $0x0  }
0xa8: {  	s5 =	sshll.u32 s28, $0x1;
	[dreg:$0x2] =	wrdreg s3  }
0xa9: {  	[dreg:$0x3] =	wrdreg s5  }
0xaa: {  	[dreg:$0x4] =	wrdreg $0xC0  }
0xab: {  	_ =	task [dreg:s7], $0x5FFFF  }
0xac: {  	[dreg:$0x1] =	wrdreg $0xFFFFFFFF  }
0xad: {  	[dreg:$0x0] =	wrdreg $0x60  }
0xae: {  	[dreg:$0x2] =	wrdreg s24  }
0xaf: {  	[dreg:$0x3] =	wrdreg s2  }
0xb0: {  	[dreg:$0x4] =	wrdreg $0x9  }
0xb1: {  	_ =	task.clear_ibuf [dreg:s7], $0x5FFFF;
	_ =	strace $0x90000046  }
0xb2: {  	s29 =	simm.s32 $0x9;
	_ =	strace $0x80000048  }
0xb3: {  	_ =	swait.ge [sflag:s29], $0x1  }
0xb4: {  	[sflag:s29] =	ssyncadd.s32 $0xFFFFFFFF  }
0xb5: {  	_ =	strace $0x90000048  }
0xb6: {  	_ =	sfence  }
0xb7: {  	s30 =	sld [smem:$0x0];
	_ =	sdelay $0x2  }
0xb8: {  	s31 =	sshll.u32 s1, $0xD;
	s1 =	sshrl.u32 s1, $0x2  }
0xb9: {  	s3 =	sand.u32 $0x4000, s31;
	s1 =	sadd.s32 s1, s30  }
0xba: {  	s0 =	sor.u32 s3, s0;
	s1 =	sshll.u32 s1, $0x11  }
0xbb: {  	s0 =	sor.u32 s1, s0  }
0xbc: {  	s0 =	sadd.s32 $0x8F2B, s0  }
0xbd: {  	[sflag:s0] =	ssyncadd.remote.s32 $0x1  }
0xbe: {  	_ =	sfence.sel $0xFFFF  }
0xbf: {  	[dreg:$0x0] =	wrdreg $0xFFFFFFFF;
	(pc) =	sbr.abs _section_cstart, $3  }
0xc0: {  	[dreg:$0x1] =	wrdreg $0xFFFFFFFF  }
0xc1: {  	_ =	task.clear_ibuf [dreg:s7], $0x2FFFF;
	_ =	strace $0x9FFFFFFF  }
0xc2: {  	(tm) =	ssettm $0x7FFFFFFF  }
0xc3: {  	_ =	shalt  }
tec
execute0_lowered:
.L_overlay_start_1:
0x0: {  	(tag) =	ssettag $0x1  }
0x1: {  	s1 =	srdreg.scid;
	s9 =	rddreg [dreg:$0x0]  }
0x2: {  	s0 =	stileid.u32;
	s3 =	rddreg [dreg:$0x1]  }
0x3: {  	s2 =	simm.s32 $0x0;
	s7 =	simm.s32 $0x80;
	s6 =	sand.u32 $0x1, s1  }
0x4: {  	s4 =	sshll.u32 s0, $0x6;
	s1 =	rddreg [dreg:$0x2];
	s5 =	sshll.u32 s6, $0x5  }
0x5: {  	s8 =	simm.s32 $0x1;
	[smem:$0x7FF] =	sst s2;
	s10 =	sor.u32 s5, s4  }
0x6: {  	_ =	strace $0x80000047;
	s11 =	ssub.s32 $0x2, s6;
	s4 =	sshrl.u32 s10, $0x3  }
0x7: {  	s6 =	simm.s32 $0x20;
	s4 =	sadd.s32 s3, s4;
	s3 =	simm.s32 $0x2  }
0x8: {  	[tilespmem:s2], [sflag:$0x2] =	stream.linear.gather [hbm4b:s4+s2], $0x20, $0x38;
	[tilespmem:$0x1080] =	vst v63  }
0x9: {  	s5 =	sadd.s32 $0xC00, s9;
	s12 =	sshrl.u32 s11, $0x1;
	_ =	swait.ge [sflag:s3], $0x20  }
0xa: {  	s10 =	sshll.u32 s10, $0x4;
	s31 =	ssub.s32 s11, s12;
	[sflag:s3] =	ssyncset.done $0x0  }
0xb: {  	s9 =	sadd.s32 s10, s9;
	s10 =	smax.u32 s31, $0x1;
	[sflag:s3] =	ssyncadd.s32 $0xFFFFFFE0  }
0xc: {  	[tilespmem:s7], [sflag:$0x1] =	stream.indirect.gather [hbm4b:s5+s6], $0x80, s2, s6, $0xb8;
	[tilespmem:$0x1080] =	vst v63  }
0xd: {  	p0 =	sne.s32 s10, $0x1;
	_ =	swait.ge [sflag:s8], $0x1000  }
.Ltmp0:
0xe: {  	[sflag:s8] =	ssyncset.done $0x0;
	(pc) =	sbr.rel @!p0 .LBB2_2-.Ltmp0, $4  }
0xf: {  	s9 =	sadd.s32 $0x4C00, s9;
	[sflag:s8] =	ssyncadd.s32 $0xFFFFF000  }
0x10: {  	[hbm4b:s9+s2] =	stream.linear.scatter [tilespmem:s7], [sflag:$0x2], $0x1000, $0x38;
	[tilespmem:$0x1080] =	vst v63  }
0x11: {  	_ =	swait.ge [sflag:s3], $0x1000  }
0x12: {  	s10 =	sadd.s32 $0xFFFFFFFF, s10;
	[sflag:s3] =	ssyncset.done $0x0  }
.LBB2_1:
0x13: {  	p0 =	sne.s32 s10, $0x1;
	s10 =	sadd.s32 $0xFFFFFFFF, s10;
	[sflag:s3] =	ssyncadd.s32 $0xFFFFF000  }
0x14: {  	[tilespmem:s2], [sflag:$0x2] =	stream.linear.gather [hbm4b:s4+s2], $0x20, $0x38;
	[tilespmem:$0x1080] =	vst v63  }
0x15: {  	_ =	swait.ge [sflag:s3], $0x20  }
0x16: {  	[sflag:s3] =	ssyncset.done $0x0  }
0x17: {  	[sflag:s3] =	ssyncadd.s32 $0xFFFFFFE0  }
0x18: {  	[tilespmem:s7], [sflag:$0x1] =	stream.indirect.gather [hbm4b:s5+s6], $0x80, s2, s6, $0xb8;
	[tilespmem:$0x1080] =	vst v63  }
0x19: {  	_ =	swait.ge [sflag:s8], $0x1000  }
.Ltmp1:
0x1a: {  	[sflag:s8] =	ssyncset.done $0x0;
	(pc) =	sbr.rel @p0 .LBB2_1-.Ltmp1, $4  }
0x1b: {  	[sflag:s8] =	ssyncadd.s32 $0xFFFFF000  }
0x1c: {  	[hbm4b:s9+s2] =	stream.linear.scatter [tilespmem:s7], [sflag:$0x2], $0x1000, $0x38;
	[tilespmem:$0x1080] =	vst v63  }
0x1d: {  	_ =	swait.ge [sflag:s3], $0x1000  }
0x1e: {  	[sflag:s3] =	ssyncset.done $0x0  }
.LBB2_2:
0x1f: {  	[sflag:s3] =	ssyncadd.s32 $0xFFFFF000  }
0x20: {  	_ =	sfence.sel $0x180000  }
0x21: {  	[bflag:$0x0] =	sbarrier.arrive $0xFFFF  }
0x22: {  	p0 =	sne.s32 s0, $0x0;
	_ =	strace $0x90000047  }
0x23: {  	s0 =	sadd.s32 @!p0 $0x100000, s1;
	[bflag:$0x2] =	sbarrier.arrive $0xFFFF  }
0x24: {  	[sflag:s0] =	ssyncadd.tile.s32 @!p0 $0x1;
	_ =	shalt  }
.Lfunc_end2:
_tile_overlayer_lowered:
.L_overlay_start_2:
0x25: {  	(tag) =	ssettag $0x2  }
0x26: {  	s0 =	rddreg [dreg:$0x0];
	s2 =	stileid.u32  }
0x27: {  	s1 =	rddreg [dreg:$0x1];
	p0 =	sne.s32 s2, $0x0  }
0x28: {  	s3 =	rddreg [dreg:$0x2];
	[bflag:$0x3] =	sbarrier.arrive $0xFFFF;
	s2 =	simm.s32 @!p0 $0x1C02  }
0x29: {  	[timem:s3], [sflag:s2] =	dma.local @!p0 [hbm:s0], s1  }
0x2a: {  	s0 =	simm.s32 @!p0 $0x2  }
0x2b: {  	_ =	swait.ge @!p0 [sflag:s0], s1  }
0x2c: {  	s1 =	ssub.s32 @!p0 $0x0, s1;
	[sflag:s0] =	ssyncset.done @!p0 $0x0  }
0x2d: {  	[sflag:s0] =	ssyncadd.s32 @!p0 s1  }
0x2e: {  	[bflag:$0x3] =	sbarrier.arrive $0xFFFF  }
0x2f: {  	_ =	shalt  }

</sc_bundles>
